<compile_context>
chip_gen: v7x
topology: tpu7x:2x2x1
jax: 0.10.2.dev20260603
libtpu: 0.0.44.dev20260713+nightly
codegen_flags: <defaults>
</compile_context>

<pallas_src>
import jax
import jax.numpy as jnp
from jax.experimental import pallas as pl

B = 512
N = 64
D = 512
O = 128
BB = 64
R = (N * D + N * N) // D
S = (N * D + N * N) // N


def _fused_kernel(states_ref, adj_ref, wg_ref, bg_ref, wcs_ref, wca_ref,
                  bc_ref, outs_ref, vals_ref):
    st = states_ref[...]
    adj = adj_ref[...]

    msg = jax.lax.dot_general(
        st.reshape(BB * N, D), wg_ref[...],
        (((1,), (0,)), ((), ())),
        preferred_element_type=jnp.float32).reshape(BB, N, O)

    eye = (jax.lax.broadcasted_iota(jnp.int32, (N, N), 0) ==
           jax.lax.broadcasted_iota(jnp.int32, (N, N), 1)).astype(jnp.float32)
    a_hat = adj + eye[None, :, :]
    deg = jnp.sum(a_hat, axis=1)
    dinv = jnp.where(deg > 0, jax.lax.rsqrt(deg), 0.0)
    aw = a_hat * dinv[:, :, None] * dinv[:, None, :]

    out = jax.lax.dot_general(
        aw, msg, (((1,), (1,)), ((0,), (0,))),
        preferred_element_type=jnp.float32)
    outs_ref[...] = out + bg_ref[...][None, None, :]

    v_s = jnp.sum(st * wcs_ref[...][None, :, :], axis=(1, 2))
    v_a = jnp.sum(adj * wca_ref[...][None, :, :], axis=(1, 2))
    vals_ref[...] = (v_s + v_a + bc_ref[0, 0])[:, None]


def kernel(obs, W_gnn, b_gnn, W_crit, b_crit):
    obs_r = obs.reshape(B, R, D)
    obs_s = obs.reshape(B, S, N)
    wc_r = W_crit.reshape(R, D)
    wc_s = W_crit.reshape(S, N)
    bc = b_crit.reshape(1, 1)

    grid = (B // BB,)
    out3, values = pl.pallas_call(
        _fused_kernel,
        grid=grid,
        in_specs=[
            pl.BlockSpec((BB, N, D), lambda i: (i, 0, 0)),
            pl.BlockSpec((BB, N, N), lambda i: (i, N * D // (N * N), 0)),
            pl.BlockSpec((D, O), lambda i: (0, 0)),
            pl.BlockSpec((O,), lambda i: (0,)),
            pl.BlockSpec((N, D), lambda i: (0, 0)),
            pl.BlockSpec((N, N), lambda i: (N * D // (N * N), 0)),
            pl.BlockSpec((1, 1), lambda i: (0, 0)),
        ],
        out_specs=[
            pl.BlockSpec((BB, N, O), lambda i: (i, 0, 0)),
            pl.BlockSpec((BB, 1), lambda i: (i, 0)),
        ],
        out_shape=[
            jax.ShapeDtypeStruct((B, N, O), jnp.float32),
            jax.ShapeDtypeStruct((B, 1), jnp.float32),
        ],
    )(obs_r, obs_s, W_gnn, b_gnn, wc_r, wc_s, bc)
    return out3.reshape(B, N * O), values

# --- scband reference (transcript-rebuilt; emitter-appended) ---
"""Pipeline reference for scband-gnn-py-g-base-33303176413380 (READ-ONLY COPY).

The authoritative reference and input builder live on the scoring server;
editing this copy changes nothing except your own understanding.
"""

import jax, jax.numpy as jnp
import numpy as np

B = 512
N_AGENTS = 64
D_STATE = 512
D_OUT = 128  # num_outputs / n_agents = 8192 / 64


def setup_inputs(seed: int = 0) -> dict:
    key = jax.random.key(seed)
    k1, k2, k3, k4 = jax.random.split(key, 4)
    # obs layout per sample: [n_agents * agent_state_size floats | n_agents^2 binary adjacency]
    states = jax.random.normal(k1, (B, N_AGENTS * D_STATE), dtype=jnp.float32)
    adj = (jax.random.uniform(k2, (B, N_AGENTS * N_AGENTS)) < 0.25).astype(jnp.float32)
    obs = jnp.concatenate([states, adj], axis=1)
    # GCNConv(agent_state_size, D_OUT) parameters
    W_gnn = jax.random.normal(k3, (D_STATE, D_OUT), dtype=jnp.float32) * 0.02
    b_gnn = jnp.zeros((D_OUT,), dtype=jnp.float32)
    # SlimFC(num_inputs, 1) critic parameters
    W_crit = jax.random.normal(k4, (N_AGENTS * D_STATE + N_AGENTS * N_AGENTS, 1), dtype=jnp.float32) * 0.02
    b_crit = jnp.zeros((1,), dtype=jnp.float32)
    return {"obs": obs, "W_gnn": W_gnn, "b_gnn": b_gnn, "W_crit": W_crit, "b_crit": b_crit}


def reference(obs, W_gnn, b_gnn, W_crit, b_crit):
    # Split flat obs into per-agent node features and dense adjacency matrix.
    states = obs[:, : N_AGENTS * D_STATE].reshape(-1, N_AGENTS, D_STATE)  # [B, n, d]
    adj = obs[:, N_AGENTS * D_STATE :].reshape(-1, N_AGENTS, N_AGENTS)    # [B, n, n], A[f, t] = 1 means edge f->t
    # PyG GCNConv: add self loops (weight 1), symmetric gcn_norm, then X W aggregation.
    # A_hat = A + I exactly reproduces add_self_loops even if diag already set (weights add).
    A_hat = adj + jnp.eye(N_AGENTS, dtype=obs.dtype)[None, :, :]
    # deg[t] = sum_f A_hat[f, t]  (in-degree at target, as in gcn_norm scatter over col)
    deg = A_hat.sum(axis=1)
    dinv = jnp.where(deg > 0, jax.lax.rsqrt(deg), 0.0)
    # norm for edge (f -> t) = deg[f]^{-1/2} * deg[t]^{-1/2}
    norm = dinv[:, :, None] * dinv[:, None, :]
    msg = states @ W_gnn  # [B, n, D_OUT]
    # out[t] = sum_f A_hat[f, t] * norm[f, t] * msg[f]
    out_nodes = jnp.einsum("bft,bfo->bto", A_hat * norm, msg) + b_gnn
    outs = out_nodes.reshape(out_nodes.shape[0], -1)  # torch.flatten per sample then stack
    # critic SlimFC (linear, no activation) on the full flat obs
    values = obs @ W_crit + b_crit
    return (outs, values)

if __name__ == "__main__":
    import jax
    _d = setup_inputs()
    print(jax.jit(kernel)(*tuple(_d.values())))

</pallas_src>

<mosaic_0001>
module attributes {stable_mosaic.version = 14 : i64} {
  func.func @_fused_kernel(%arg0: i32, %arg1: memref<64x64x512xf32, #tpu.memory_space<vmem>>, %arg2: memref<64x64x64xf32, #tpu.memory_space<vmem>>, %arg3: memref<512x128xf32, #tpu.memory_space<vmem>>, %arg4: memref<128xf32, #tpu.memory_space<vmem>>, %arg5: memref<64x512xf32, #tpu.memory_space<vmem>>, %arg6: memref<64x64xf32, #tpu.memory_space<vmem>>, %arg7: memref<1x1xf32, #tpu.memory_space<vmem>>, %arg8: memref<64x64x128xf32, #tpu.memory_space<vmem>>, %arg9: memref<64x1xf32, #tpu.memory_space<vmem>>) attributes {dimension_semantics = [#tpu.dimension_semantics<arbitrary>], iteration_bounds = array<i64: 8>, scalar_prefetch = 0 : i64, scratch_operands = 0 : i64, tpu.core_type = #tpu.core_type<tc>, window_params = [{transform_indices = @transform_0, window_bounds = array<i64: 64, 64, 512>}, {transform_indices = @transform_1, window_bounds = array<i64: 64, 64, 64>}, {pipeline_mode = #tpu.pipeline_mode<synchronous>, transform_indices = @transform_2, window_bounds = array<i64: 512, 128>}, {pipeline_mode = #tpu.pipeline_mode<synchronous>, transform_indices = @transform_3, window_bounds = array<i64: 128>}, {transform_indices = @transform_4, window_bounds = array<i64: 64, 512>}, {transform_indices = @transform_5, window_bounds = array<i64: 64, 64>}, {pipeline_mode = #tpu.pipeline_mode<synchronous>, transform_indices = @transform_6, window_bounds = array<i64: 1, 1>}, {transform_indices = @transform_7, window_bounds = array<i64: 64, 64, 128>}, {transform_indices = @transform_8, window_bounds = array<i64: 64, 1>}]} {
    %get3A = arith.constant 0 : index
    %get3A_0 = arith.constant 0 : index
    %get3A_1 = arith.constant 0 : index
    %get3A_2 = vector.load %arg1[%get3A, %get3A_0, %get3A_1] : memref<64x64x512xf32, #tpu.memory_space<vmem>>, vector<64x64x512xf32>
    %get3A_3 = arith.constant 0 : index
    %get3A_4 = arith.constant 0 : index
    %get3A_5 = arith.constant 0 : index
    %get3A_6 = vector.load %arg2[%get3A_3, %get3A_4, %get3A_5] : memref<64x64x64xf32, #tpu.memory_space<vmem>>, vector<64x64x64xf32>
    %reshape3A = vector.shape_cast %get3A_2 : vector<64x64x512xf32> to vector<4096x512xf32>
    %get3A_7 = arith.constant 0 : index
    %get3A_8 = arith.constant 0 : index
    %get3A_9 = vector.load %arg3[%get3A_7, %get3A_8] : memref<512x128xf32, #tpu.memory_space<vmem>>, vector<512x128xf32>
    %dot_general3A = arith.constant dense<0.000000e+00> : vector<4096x128xf32>
    %dot_general3A_10 = tpu.matmul %reshape3A, %get3A_9, %dot_general3A {dimension_numbers = #tpu.dot_dimension_numbers<[1], [0], [0], [1], [0, 0, 1, 1], [], []>, transpose_lhs_hint = false} : vector<4096x512xf32>, vector<512x128xf32>, vector<4096x128xf32> -> vector<4096x128xf32>
    %reshape3A_11 = vector.shape_cast %dot_general3A_10 : vector<4096x128xf32> to vector<64x64x128xf32>
    %iota3A = tpu.iota {dimensions = array<i32: 0>} : vector<64x64xi32>
    %iota3A_12 = tpu.iota {dimensions = array<i32: 1>} : vector<64x64xi32>
    %eq3A = arith.cmpi eq, %iota3A, %iota3A_12 : vector<64x64xi32>
    %convert_element_type3A = arith.extui %eq3A : vector<64x64xi1> to vector<64x64xi32>
    %convert_element_type3A_13 = arith.sitofp %convert_element_type3A : vector<64x64xi32> to vector<64x64xf32>
    %broadcast_in_dim3A = vector.shape_cast %convert_element_type3A_13 : vector<64x64xf32> to vector<1x64x64xf32>
    %add3A = vector.broadcast %broadcast_in_dim3A : vector<1x64x64xf32> to vector<64x64x64xf32>
    %add3A_14 = arith.addf %get3A_6, %add3A : vector<64x64x64xf32>
    %reduce_sum3A = arith.constant dense<0.000000e+00> : vector<64x64xf32>
    %reduce_sum3A_15 = vector.multi_reduction <add>, %add3A_14, %reduce_sum3A [1] : vector<64x64x64xf32> to vector<64x64xf32>
    %gt3A = arith.constant 0.000000e+00 : f32
    %gt3A_16 = vector.broadcast %gt3A : f32 to vector<64x64xf32>
    %gt3A_17 = arith.cmpf ogt, %reduce_sum3A_15, %gt3A_16 : vector<64x64xf32>
    %rsqrt3A = math.rsqrt %reduce_sum3A_15 : vector<64x64xf32>
    %jit3A = arith.constant 0.000000e+00 : f32
    %broadcast_in_dim3A_18 = vector.broadcast %jit3A : f32 to vector<64x64xf32>
    %select_n3A = arith.select %gt3A_17, %rsqrt3A, %broadcast_in_dim3A_18 : vector<64x64xi1>, vector<64x64xf32>
    %broadcast_in_dim3A_19 = vector.shape_cast %select_n3A : vector<64x64xf32> to vector<64x64x1xf32>
    %mul3A = vector.broadcast %broadcast_in_dim3A_19 : vector<64x64x1xf32> to vector<64x64x64xf32>
    %mul3A_20 = arith.mulf %add3A_14, %mul3A : vector<64x64x64xf32>
    %broadcast_in_dim3A_21 = vector.shape_cast %select_n3A : vector<64x64xf32> to vector<64x1x64xf32>
    %mul3A_22 = vector.broadcast %broadcast_in_dim3A_21 : vector<64x1x64xf32> to vector<64x64x64xf32>
    %mul3A_23 = arith.mulf %mul3A_20, %mul3A_22 : vector<64x64x64xf32>
    %dot_general3A_24 = arith.constant dense<0.000000e+00> : vector<64x64x128xf32>
    %dot_general3A_25 = tpu.matmul %mul3A_23, %reshape3A_11, %dot_general3A_24 {dimension_numbers = #tpu.dot_dimension_numbers<[1], [1], [2], [2], [0, 0, 0, 2, 1, 2], [0], [0]>, transpose_lhs_hint = false} : vector<64x64x64xf32>, vector<64x64x128xf32>, vector<64x64x128xf32> -> vector<64x64x128xf32>
    %get3A_26 = arith.constant 0 : index
    %get3A_27 = vector.load %arg4[%get3A_26] : memref<128xf32, #tpu.memory_space<vmem>>, vector<128xf32>
    %broadcast_in_dim3A_28 = vector.shape_cast %get3A_27 : vector<128xf32> to vector<1x1x128xf32>
    %add3A_29 = vector.broadcast %broadcast_in_dim3A_28 : vector<1x1x128xf32> to vector<64x64x128xf32>
    %add3A_30 = arith.addf %dot_general3A_25, %add3A_29 : vector<64x64x128xf32>
    %swap3A = arith.constant 0 : index
    %swap3A_31 = arith.constant 0 : index
    %swap3A_32 = arith.constant 0 : index
    %swap3A_33 = vector.load %arg8[%swap3A, %swap3A_31, %swap3A_32] : memref<64x64x128xf32, #tpu.memory_space<vmem>>, vector<64x64x128xf32>
    tpu.vector_store %arg8[%swap3A, %swap3A_31, %swap3A_32], %add3A_30 {strides = array<i32>} : memref<64x64x128xf32, #tpu.memory_space<vmem>>, vector<64x64x128xf32>,
    %get3A_34 = arith.constant 0 : index
    %get3A_35 = arith.constant 0 : index
    %get3A_36 = vector.load %arg5[%get3A_34, %get3A_35] : memref<64x512xf32, #tpu.memory_space<vmem>>, vector<64x512xf32>
    %broadcast_in_dim3A_37 = vector.shape_cast %get3A_36 : vector<64x512xf32> to vector<1x64x512xf32>
    %mul3A_38 = vector.broadcast %broadcast_in_dim3A_37 : vector<1x64x512xf32> to vector<64x64x512xf32>
    %mul3A_39 = arith.mulf %get3A_2, %mul3A_38 : vector<64x64x512xf32>
    %reduce_sum3A_40 = arith.constant dense<0.000000e+00> : vector<64xf32>
    %reduce_sum3A_41 = vector.multi_reduction <add>, %mul3A_39, %reduce_sum3A_40 [1, 2] : vector<64x64x512xf32> to vector<64xf32>
    %get3A_42 = arith.constant 0 : index
    %get3A_43 = arith.constant 0 : index
    %get3A_44 = vector.load %arg6[%get3A_42, %get3A_43] : memref<64x64xf32, #tpu.memory_space<vmem>>, vector<64x64xf32>
    %broadcast_in_dim3A_45 = vector.shape_cast %get3A_44 : vector<64x64xf32> to vector<1x64x64xf32>
    %mul3A_46 = vector.broadcast %broadcast_in_dim3A_45 : vector<1x64x64xf32> to vector<64x64x64xf32>
    %mul3A_47 = arith.mulf %get3A_6, %mul3A_46 : vector<64x64x64xf32>
    %reduce_sum3A_48 = arith.constant dense<0.000000e+00> : vector<64xf32>
    %reduce_sum3A_49 = vector.multi_reduction <add>, %mul3A_47, %reduce_sum3A_48 [1, 2] : vector<64x64x64xf32> to vector<64xf32>
    %add3A_50 = arith.addf %reduce_sum3A_41, %reduce_sum3A_49 : vector<64xf32>
    %get3A_51 = arith.constant 0 : index
    %get3A_52 = arith.constant 0 : index
    %get3A_53 = vector.load %arg7[%get3A_51, %get3A_52] : memref<1x1xf32, #tpu.memory_space<vmem>>, vector<1x1xf32>
    %get3A_54 = vector.extract %get3A_53[0, 0] : f32 from vector<1x1xf32>
    %add3A_55 = vector.broadcast %get3A_54 : f32 to vector<64xf32>
    %add3A_56 = arith.addf %add3A_50, %add3A_55 : vector<64xf32>
    %broadcast_in_dim3A_57 = vector.shape_cast %add3A_56 : vector<64xf32> to vector<64x1xf32>
    %swap3A_58 = arith.constant 0 : index
    %swap3A_59 = arith.constant 0 : index
    %swap3A_60 = vector.load %arg9[%swap3A_58, %swap3A_59] : memref<64x1xf32, #tpu.memory_space<vmem>>, vector<64x1xf32>
    tpu.vector_store %arg9[%swap3A_58, %swap3A_59], %broadcast_in_dim3A_57 {strides = array<i32>} : memref<64x1xf32, #tpu.memory_space<vmem>>, vector<64x1xf32>,
    return
  }
  func.func @transform_0(%arg0: i32) -> (i32, i32, i32) {
    %c0_i32 = arith.constant 0 : i32
    %c0_i32_0 = arith.constant 0 : i32
    %c0_i32_1 = arith.constant 0 : i32
    return %arg0, %c0_i32, %c0_i32_0 : i32, i32, i32
  }
  func.func @transform_1(%arg0: i32) -> (i32, i32, i32) {
    %c8_i32 = arith.constant 8 : i32
    %c0_i32 = arith.constant 0 : i32
    %c0_i32_0 = arith.constant 0 : i32
    return %arg0, %c8_i32, %c0_i32 : i32, i32, i32
  }
  func.func @transform_2(%arg0: i32) -> (i32, i32) {
    %c0_i32 = arith.constant 0 : i32
    %c0_i32_0 = arith.constant 0 : i32
    %c0_i32_1 = arith.constant 0 : i32
    return %c0_i32, %c0_i32_0 : i32, i32
  }
  func.func @transform_3(%arg0: i32) -> i32 {
    %c0_i32 = arith.constant 0 : i32
    %c0_i32_0 = arith.constant 0 : i32
    return %c0_i32 : i32
  }
  func.func @transform_4(%arg0: i32) -> (i32, i32) {
    %c0_i32 = arith.constant 0 : i32
    %c0_i32_0 = arith.constant 0 : i32
    %c0_i32_1 = arith.constant 0 : i32
    return %c0_i32, %c0_i32_0 : i32, i32
  }
  func.func @transform_5(%arg0: i32) -> (i32, i32) {
    %c8_i32 = arith.constant 8 : i32
    %c0_i32 = arith.constant 0 : i32
    %c0_i32_0 = arith.constant 0 : i32
    return %c8_i32, %c0_i32 : i32, i32
  }
  func.func @transform_6(%arg0: i32) -> (i32, i32) {
    %c0_i32 = arith.constant 0 : i32
    %c0_i32_0 = arith.constant 0 : i32
    %c0_i32_1 = arith.constant 0 : i32
    return %c0_i32, %c0_i32_0 : i32, i32
  }
  func.func @transform_7(%arg0: i32) -> (i32, i32, i32) {
    %c0_i32 = arith.constant 0 : i32
    %c0_i32_0 = arith.constant 0 : i32
    %c0_i32_1 = arith.constant 0 : i32
    return %arg0, %c0_i32, %c0_i32_0 : i32, i32, i32
  }
  func.func @transform_8(%arg0: i32) -> (i32, i32) {
    %c0_i32 = arith.constant 0 : i32
    %c0_i32_0 = arith.constant 0 : i32
    return %arg0, %c0_i32 : i32, i32
  }
}

</mosaic_0001>

<sc_bundles>
// kernel: sparse-core-data-format-call.cloned.1.call-start
scs
called_computation_lowered:
.L_overlay_start_0:
0x0: {  	s2 =	sld [smem:$0x3FD9]  }
0x1: {  	s3 =	sld [smem:$0x3FFE];
	_ =	sdelay $0x1  }
0x2: {  	s1 =	srdreg.scid  }
0x3: {  	s0 =	sand.u32 $0x1, s1  }
0x4: {  	s18 =	sshll.u32 s0, $0xA;
	s2 =	sadd.s32 s3, s2  }
0x5: {  	s2 =	sadd.s32 s2, s18  }
0x6: {  	[smem:$0x3FC3] =	sst s2  }
0x7: {  	_ = 	snop  }
0x8: {  	s2 =	sld [smem:$0x3FC9];
	(tm) =	ssettm $0x1  }
0x9: {  	s19 =	sld [smem:$0x3FFB];
	_ =	sdelay $0x3  }
0xa: {  	_ =	strace s19  }
0xb: {  	s3 =	sld [smem:$0x3FFC];
	_ =	sdelay $0x3  }
0xc: {  	_ =	strace s3  }
0xd: {  	s3 =	sld [smem:$0x3FFD];
	_ =	sdelay $0x3  }
0xe: {  	_ =	strace s3  }
0xf: {  	_ =	strace $0x8FFFFFFF  }
0x10: {  	s20 =	sld [smem:$0x3FDB];
	_ =	sdelay $0x1  }
0x11: {  	s4 =	simm.s32 $_scs_section_size  }
0x12: {  	s5 =	simm.s32 $_size__tile_overlayer_lowered;
	s6 =	simm.s32 $_tile_overlayer_lowered  }
0x13: {  	s23 =	simm.s32 $0x1BFF;
	s22 =	sshll.u32 s6, $0x1;
	s3 =	sadd.s32 s4, s20  }
0x14: {  	s7 =	simm.s32 $0x0;
	s21 =	sshll.u32 s5, $0x1;
	s5 =	sadd.s32 s22, s3  }
0x15: {  	[timem:s7], [sflag:s23] =	dma.local [hbm:s5], s21  }
0x16: {  	_ =	swait.ge [sflag:s23], s21  }
0x17: {  	s4 =	ssub.s32 $0x0, s21;
	[sflag:s23] =	ssyncset.done $0x0  }
0x18: {  	[sflag:s23] =	ssyncadd.s32 s4;
	_ =	sdelay $0x1  }
0x19: {  	s24 =	simm.s32 $0x1B8B  }
0x1a: {  	_ =	swait.ge [sflag:s24], $0x1  }
0x1b: {  	[sflag:s24] =	ssyncset.done $0x0  }
0x1c: {  	s26 =	simm.s32 $0x1B8E;
	s25 =	sld [smem:$0x3FFE];
	[sflag:s24] =	ssyncadd.s32 $0xFFFFFFFF  }
0x1d: {  	s27 =	simm.s32 $execute0_lowered;
	[smem:$0x3FD2] =	sst s26  }
0x1e: {  	s5 =	sshll.u32 s27, $0x1;
	_ =	strace $0x80000046;
	[dreg:$0x1] =	wrdreg $0xFFFFFFFF  }
0x1f: {  	s28 =	simm.s32 $_size_execute0_lowered;
	s3 =	sadd.s32 s3, s5;
	[dreg:$0x0] =	wrdreg $0x0  }
0x20: {  	s5 =	sshll.u32 s28, $0x1;
	[dreg:$0x2] =	wrdreg s3  }
0x21: {  	[dreg:$0x3] =	wrdreg s5  }
0x22: {  	[dreg:$0x4] =	wrdreg $0xC0  }
0x23: {  	_ =	task [dreg:s7], $0x5FFFF  }
0x24: {  	[dreg:$0x1] =	wrdreg $0xFFFFFFFF  }
0x25: {  	[dreg:$0x0] =	wrdreg $0x60  }
0x26: {  	[dreg:$0x2] =	wrdreg s2  }
0x27: {  	[dreg:$0x3] =	wrdreg s25  }
0x28: {  	[dreg:$0x4] =	wrdreg $0x9  }
0x29: {  	_ =	task.clear_ibuf [dreg:s7], $0x5FFFF;
	_ =	strace $0x90000046  }
0x2a: {  	s29 =	simm.s32 $0x9;
	_ =	strace $0x80000048  }
0x2b: {  	_ =	swait.ge [sflag:s29], $0x1  }
0x2c: {  	[sflag:s29] =	ssyncadd.s32 $0xFFFFFFFF  }
0x2d: {  	_ =	strace $0x90000048  }
0x2e: {  	_ =	sfence  }
0x2f: {  	s30 =	sld [smem:$0x0];
	_ =	sdelay $0x2  }
0x30: {  	s31 =	sshll.u32 s1, $0xD;
	s1 =	sshrl.u32 s1, $0x2  }
0x31: {  	s3 =	sand.u32 $0x4000, s31;
	s1 =	sadd.s32 s1, s30  }
0x32: {  	s0 =	sor.u32 s3, s0;
	s1 =	sshll.u32 s1, $0x11  }
0x33: {  	s0 =	sor.u32 s1, s0  }
0x34: {  	s0 =	sadd.s32 $0x8F2B, s0  }
0x35: {  	[sflag:s0] =	ssyncadd.remote.s32 $0x1  }
0x36: {  	_ =	sfence.sel $0xFFFF  }
0x37: {  	[dreg:$0x0] =	wrdreg $0xFFFFFFFF;
	(pc) =	sbr.abs _section_cstart, $3  }
0x38: {  	[dreg:$0x1] =	wrdreg $0xFFFFFFFF  }
0x39: {  	_ =	task.clear_ibuf [dreg:s7], $0x2FFFF;
	_ =	strace $0x9FFFFFFF  }
0x3a: {  	(tm) =	ssettm $0x7FFFFFFF  }
0x3b: {  	_ =	shalt  }
tec
execute0_lowered:
.L_overlay_start_1:
0x0: {  	(tag) =	ssettag $0x1  }
0x1: {  	s2 =	rddreg [dreg:$0x0]  }
0x2: {  	s1 =	rddreg [dreg:$0x1]  }
0x3: {  	s0 =	rddreg [dreg:$0x2];
	_ =	strace $0x80000047;
	s4 =	srdreg.scid  }
0x4: {  	s6 =	simm.s32 $0x2;
	s12 =	simm.s32 $0x0;
	p0 =	por $0x0, $0x0  }
0x5: {  	s13 =	simm.s32 $0x0;
	s15 =	simm.s32 $0x0;
	s14 =	simm.s32 $0x0  }
.Ltmp0:
0x6: {  	s8 =	simm.s32 $0x0;
	s9 =	simm.s32 $0x0;
	(pc) =	sbr.rel .LBB1_1-.Ltmp0, $4  }
0x7: {  	s10 =	simm.s32 $0x0;
	s3 =	sadd.s32 $0x800, s1;
	s5 =	sshll.u32 s4, $0x4  }
0x8: {  	s1 =	stileid.u32;
	s4 =	simm.s32 $0x1;
	s5 =	sand.u32 $0x10, s5  }
0x9: {  	s7 =	simm.s32 $0x0;
	[sflag:s4] =	ssyncpa.u1 $0x0;
	s5 =	sor.u32 s1, s5  }
0xa: {  	[sflag:s6] =	ssyncpa.u1 $0x0;
	s6 =	simm.s32 $0x9000;
	s11 =	smov.u32 s5  }
.LBB1_7:
0xb: {  	s16 =	sadd.s32 $0x100, s8  }
0xc: {  	s12 =	sadd.s32 $0x8, s9;
	s17 =	smov.u32 s9;
	p2 =	sgt.s32 s16, $0x1FF  }
0xd: {  	s17 =	smov.u32 @p2 s12  }
0xe: {  	s18 =	smov.u32 s10;
	s12 =	sadd.s32 $0x8, s10;
	p3 =	sgt.s32 s17, $0x7  }
0xf: {  	s18 =	smov.u32 @p3 s12  }
0x10: {  	s19 =	smov.u32 s11;
	s12 =	sadd.s32 $0x20, s11;
	p4 =	sgt.s32 s18, $0x47  }
0x11: {  	p1 =	slt.u32 s7, $0x2;
	s19 =	smov.u32 @p4 s12  }
0x12: {  	s7 =	sadd.s32 $0x1, s7;
	s16 =	simm.s32 @p2 $0x0;
	p2 =	sgt.s32 s19, $0x3F  }
0x13: {  	s20 =	simm.s32 @!p1 $0x2;
	s19 =	smov.u32 @p2 s5;
	p2 =	sne.s32 s7, $0x26  }
.Ltmp1:
0x14: {  	s13 =	smov.u32 s9;
	_ =	swait.ge @!p1 [sflag:s20], $0x4000;
	(pc) =	sbr.rel @!p2 .LBB1_8-.Ltmp1, $4  }
0x15: {  	s15 =	smov.u32 s10;
	s14 =	smov.u32 s11;
	[sflag:s20] =	ssyncset.done @!p1 $0x0  }
0x16: {  	p0 =	por !p0, !p0;
	s17 =	simm.s32 @p3 $0x0;
	[sflag:s20] =	ssyncadd.s32 @!p1 $0xFFFFC000  }
0x17: {  	s9 =	smov.u32 s17;
	s18 =	simm.s32 @p4 $0x0;
	s12 =	smov.u32 s8  }
0x18: {  	s8 =	smov.u32 s16;
	s10 =	smov.u32 s18;
	s11 =	smov.u32 s19  }
.LBB1_1:
0x19: {  	p1 =	sgt.u32 s7, $0x23  }
0x1a: {  	s16 =	sxor.u32 @!p1 $0xFFFFFFFF, s7;
	s17 =	sand.u32 @!p1 $0x78, s8  }
0x1b: {  	s18 =	sshll.u32 @!p1 s9, $0x7;
	s19 =	sshll.u32 @!p1 s8, $0x3;
	s20 =	smul.u32 @!p1 $0x9000, s11  }
0x1c: {  	s21 =	sshll.u32 @!p1 s10, $0x9;
	s16 =	sshll.u32 @!p1 s16, $0xE;
	s18 =	sand.u32 @!p1 $0x380, s18  }
0x1d: {  	s19 =	sand.u32 @!p1 $0xC00, s19;
	s16 =	sand.u32 @!p1 $0x4000, s16;
	s17 =	sor.u32 @!p1 s17, s18  }
0x1e: {  	s18 =	sadd.s32 @!p1 s2, s20;
	s17 =	sor.u32 @!p1 s19, s17;
	s19 =	sand.u32 @!p1 $0x7, s8  }
0x1f: {  	s18 =	sadd.s32 @!p1 s21, s18;
	s17 =	sshrl.u32 @!p1 s17, $0x3;
	s19 =	sshll.u32 @!p1 s19, $0x12  }
0x20: {  	s17 =	sadd.s32 @!p1 s17, s18;
	s18 =	sor.u32 @!p1 $0x800, s19;
	s19 =	simm.s32 @!p1 $0x1000  }
0x21: {  	[tilespmem:s16], [sflag:$0x1] =	stream.strided.gather @!p1 [hbm4b:s17+s18], $0x4000, s19, s18, $0x38;
	[tilespmem:$0x10000] =	vst v63  }
0x22: {  	p1 =	seq.s32 s7, $0x0  }
0x23: {  	p2 =	seq.s32 @!p1 s7, $0x25  }
0x24: {  	p1 =	por p1, p2  }
.Ltmp2:
0x25: {  	_ = 	snop;
	(pc) =	sbr.rel @p1 .LBB1_7-.Ltmp2, $1  }
0x26: {  	_ =	sdelay $0x3  }
0x27: {  	s16 =	simm.s32 $0x1;
	_ =	swait.ge [sflag:s4], $0x4000  }
0x28: {  	s31 =	sshll.u32 s7, $0xE;
	s21 =	simm.s32 $0x0;
	p1 =	por $0x0, $0x0  }
0x29: {  	s22 =	simm.s32 $0x0;
	s23 =	simm.s32 $0x0;
	s16 =	simm.s32 @!p0 $0x0  }
0x2a: {  	[sflag:s4] =	ssyncset.done $0x0;
	s19 =	sand.u32 $0x4000, s31;
	s16 =	sshll.u32 s16, $0x10  }
0x2b: {  	[sflag:s4] =	ssyncadd.s32 $0xFFFFC000;
	s20 =	sshrl.u32 s16, $0x2;
	s16 =	sor.u32 $0x8000, s19  }
0x2c: {  	s17 =	sor.u32 $0x40, s20;
	s18 =	sor.u32 $0x8410, s20;
	s20 =	sadd.s32 $0x8400, s20  }
.LBB1_3:
0x2d: {  	v1 =	vld [tilespmem:s17+$0xFFFFFFD0]  }
0x2e: {  	v2 =	vld [tilespmem:s17+$0x430]  }
0x2f: {  	s24 =	sshll.u32 s23, $0xB;
	v4 =	vld [tilespmem:s17+$0xFFFFFFE0]  }
0x30: {  	v7 =	vld [tilespmem:s17+$0xFFFFFFF0];
	v0 =	vmov s24  }
0x31: {  	v8 =	vld [tilespmem:s17+$0x0]  }
0x32: {  	s30 =	sand.u32 $0x300, s21;
	v9 =	vld [tilespmem:s17+$0x10]  }
0x33: {  	s25 =	sand.u32 $0x80, s21;
	v10 =	vld [tilespmem:s17+$0x20];
	s24 =	sadd.s32 s30, s19  }
0x34: {  	v11 =	vld [tilespmem:s17+$0x30];
	s24 =	sadd.s32 s25, s24;
	s25 =	simm.s32 $0x1;
	[tilespmem:s18+$0x60] =	vst v2  }
0x35: {  	s31 =	sshll.u32 s22, $0x2;
	s25 =	simm.s32 @!p1 $0x0;
	[tilespmem:s18+$0xFFFFFC00] =	vst v1;
	v3 =	vld.idx.msk [tilespmem:v0+s24+$0x400 ss:$0x1], $0xffff  }
0x36: {  	v6 =	vld [tilespmem:s17+$0x3D0];
	s25 =	sshll.u32 s25, $0x9;
	[tilespmem:s18+$0xFFFFFC10] =	vst v4;
	s24 =	sand.u32 $0xFFFFFC00, s31  }
0x37: {  	v5 =	vld [tilespmem:s17+$0x3E0];
	[tilespmem:s18+$0xFFFFFC20] =	vst v7;
	s24 =	sor.u32 s25, s24  }
0x38: {  	[tilespmem:s18+$0xFFFFFC30] =	vst v8;
	v4 =	vld [tilespmem:s17+$0x400];
	s24 =	sshrl.u32 s24, $0x2  }
0x39: {  	[tilespmem:s18+$0xFFFFFC40] =	vst v9;
	v1 =	vld [tilespmem:s17+$0x410];
	s24 =	sadd.s32 s24, s20  }
0x3a: {  	[tilespmem:s24+$0x0] =	vst v3;
	v3 =	vld [tilespmem:s17+$0x3F0]  }
0x3b: {  	s28 =	simm.s32 $0x80;
	s27 =	simm.s32 $0x100;
	[tilespmem:s18+$0xFFFFFC50] =	vst v10;
	v2 =	vld [tilespmem:s17+$0x420]  }
0x3c: {  	s26 =	smov.u32 s18;
	s29 =	sand.u32 $0x300, s28;
	v7 =	vld [tilespmem:s17+$0xFFFFFFC0];
	[tilespmem:s18+$0xFFFFFC60] =	vst v11;
	s25 =	sadd.s32 $0x80, s17  }
.LBB1_4:
0x3d: {  	p2 =	sne.s32 s27, $0x380;
	v8 =	vld [tilespmem:s25+$0xFFFFFFD0];
	s28 =	sand.u32 $0x80, s28;
	s29 =	sadd.s32 s29, s19;
	[tilespmem:s26+$0x0] =	vst v6  }
0x3e: {  	s29 =	sadd.s32 s28, s29;
	v6 =	vld [tilespmem:s25+$0x430];
	[tilespmem:s26+$0x10] =	vst v5;
	s28 =	smov.u32 s27  }
0x3f: {  	v5 =	vld.idx.msk [tilespmem:v0+s29+$0x400 ss:$0x1], $0xffff;
	[tilespmem:s26+$0x20] =	vst v3  }
0x40: {  	v3 =	vld [tilespmem:s25+$0xFFFFFFE0];
	[tilespmem:s26+$0x30] =	vst v4  }
0x41: {  	v4 =	vld [tilespmem:s25+$0xFFFFFFF0];
	[tilespmem:s26+$0xFFFFFBF0] =	vst v7  }
0x42: {  	v7 =	vld [tilespmem:s25+$0x0];
	[tilespmem:s26+$0x40] =	vst v1  }
0x43: {  	v1 =	vld [tilespmem:s25+$0x10];
	[tilespmem:s26+$0x50] =	vst v2;
	s26 =	sadd.s32 $0x800, s26  }
0x44: {  	s24 =	sadd.s32 $0x800, s24;
	v2 =	vld [tilespmem:s25+$0x20];
	[tilespmem:s26+$0x60] =	vst v6  }
0x45: {  	v9 =	vld [tilespmem:s25+$0x30];
	[tilespmem:s24+$0x0] =	vst v5  }
0x46: {  	[tilespmem:s26+$0xFFFFFC00] =	vst v8;
	v6 =	vld [tilespmem:s25+$0x3D0]  }
0x47: {  	[tilespmem:s26+$0xFFFFFC10] =	vst v3;
	v5 =	vld [tilespmem:s25+$0x3E0]  }
.Ltmp3:
0x48: {  	[tilespmem:s26+$0xFFFFFC20] =	vst v4;
	v3 =	vld [tilespmem:s25+$0x3F0];
	(pc) =	sbr.rel @p2 .LBB1_4-.Ltmp3, $4  }
0x49: {  	[tilespmem:s26+$0xFFFFFC30] =	vst v7;
	v4 =	vld [tilespmem:s25+$0x400]  }
0x4a: {  	[tilespmem:s26+$0xFFFFFC40] =	vst v1;
	v1 =	vld [tilespmem:s25+$0x410]  }
0x4b: {  	[tilespmem:s26+$0xFFFFFC50] =	vst v2;
	v2 =	vld [tilespmem:s25+$0x420]  }
0x4c: {  	s27 =	sadd.s32 $0x80, s27;
	s29 =	sand.u32 $0x300, s28;
	v7 =	vld [tilespmem:s25+$0xFFFFFFC0];
	[tilespmem:s26+$0xFFFFFC60] =	vst v9;
	s25 =	sadd.s32 $0x80, s25  }
0x4d: {  	[tilespmem:s26+$0x0] =	vst v6  }
0x4e: {  	[tilespmem:s26+$0x10] =	vst v5  }
0x4f: {  	v49 =	vld [tilespmem:s25+$0x430];
	[tilespmem:s26+$0x20] =	vst v3  }
0x50: {  	v50 =	vld [tilespmem:s25+$0xFFFFFFD0];
	[tilespmem:s26+$0x30] =	vst v4  }
0x51: {  	v51 =	vld [tilespmem:s25+$0xFFFFFFE0];
	[tilespmem:s26+$0x40] =	vst v1  }
0x52: {  	v52 =	vld [tilespmem:s25+$0xFFFFFFF0];
	[tilespmem:s26+$0x50] =	vst v2  }
0x53: {  	s31 =	sadd.s32 $0x800, s26;
	v53 =	vld [tilespmem:s25+$0x0];
	[tilespmem:s26+$0xFFFFFBF0] =	vst v7  }
0x54: {  	v54 =	vld [tilespmem:s25+$0x10];
	[tilespmem:s31+$0x60] =	vst v49  }
0x55: {  	v55 =	vld [tilespmem:s25+$0x20];
	[tilespmem:s31+$0xFFFFFC00] =	vst v50  }
0x56: {  	v56 =	vld [tilespmem:s25+$0x30];
	[tilespmem:s31+$0xFFFFFC10] =	vst v51  }
0x57: {  	v57 =	vld [tilespmem:s25+$0x3D0];
	[tilespmem:s31+$0xFFFFFC20] =	vst v52  }
0x58: {  	v58 =	vld [tilespmem:s25+$0x3E0];
	[tilespmem:s31+$0xFFFFFC30] =	vst v53  }
0x59: {  	v59 =	vld [tilespmem:s25+$0x3F0];
	[tilespmem:s31+$0xFFFFFC40] =	vst v54  }
0x5a: {  	v60 =	vld [tilespmem:s25+$0x400];
	[tilespmem:s31+$0xFFFFFC50] =	vst v55  }
0x5b: {  	v61 =	vld [tilespmem:s25+$0xFFFFFFC0];
	[tilespmem:s31+$0xFFFFFC60] =	vst v56  }
0x5c: {  	s27 =	sand.u32 $0x80, s28;
	s30 =	sadd.s32 s29, s19;
	v62 =	vld [tilespmem:s25+$0x410];
	[tilespmem:s31+$0x0] =	vst v57  }
0x5d: {  	v63 =	vld [tilespmem:s25+$0x420];
	s23 =	sadd.s32 $0x1, s23;
	s27 =	sadd.s32 s27, s30;
	[tilespmem:s31+$0x10] =	vst v58  }
0x5e: {  	p2 =	sne.s32 s23, $0x8;
	v0 =	vld.idx.msk [tilespmem:v0+s27+$0x400 ss:$0x1], $0xffff;
	[tilespmem:s31+$0x20] =	vst v59  }
.Ltmp4:
0x5f: {  	[tilespmem:s31+$0x30] =	vst v60;
	(pc) =	sbr.rel @p2 .LBB1_3-.Ltmp4, $4  }
0x60: {  	[tilespmem:s31+$0xFFFFFBF0] =	vst v61  }
0x61: {  	[tilespmem:s31+$0x40] =	vst v62  }
0x62: {  	s24 =	sadd.s32 $0x800, s24;
	s17 =	sadd.s32 $0x800, s17;
	[tilespmem:s31+$0x50] =	vst v63  }
0x63: {  	s22 =	sadd.s32 $0x80, s22;
	p1 =	por !p1, !p1;
	s18 =	sadd.s32 $0x80, s18;
	[tilespmem:s24+$0x0] =	vst v0  }
0x64: {  	s17 =	sshll.u32 s15, $0x9;
	s18 =	sshll.u32 s12, $0x3  }
0x65: {  	s27 =	sshll.u32 s15, $0x7;
	s17 =	sand.u32 $0xFFFFF000, s17;
	s18 =	sand.u32 $0xFFFFFC00, s18  }
0x66: {  	s28 =	sand.u32 $0x200, s27;
	s17 =	sadd.s32 s17, s18  }
0x67: {  	s17 =	sor.u32 s28, s17  }
0x68: {  	s14 =	smul.u32 $0x9000, s14;
	s17 =	sshrl.u32 s17, $0x9  }
0x69: {  	s29 =	smulhi.u32 $0x38E38E4, s17  }
0x6a: {  	s19 =	sand.u32 $0x78, s12;
	s13 =	smul.u32 $0x1200, s13  }
0x6b: {  	s30 =	sand.u32 $0x7, s12;
	s15 =	sand.u32 $0x180, s27;
	s18 =	smul.u32 $0x48, s29  }
.Ltmp5:
0x6c: {  	s15 =	sor.u32 s15, s19;
	s14 =	sadd.s32 s3, s14;
	(pc) =	sbr.rel .LBB1_7-.Ltmp5, $4  }
0x6d: {  	s15 =	sshrl.u32 s15, $0x3;
	s13 =	sadd.s32 s13, s14;
	s17 =	ssub.s32 s17, s18  }
0x6e: {  	s12 =	sshll.u32 s30, $0x12;
	s13 =	sadd.s32 s15, s13;
	s31 =	sshll.u32 s17, $0x6  }
0x6f: {  	s12 =	sor.u32 $0x800, s12;
	s13 =	sadd.s32 s31, s13  }
0x70: {  	[hbm4b:s13+s12] =	stream.strided.scatter [tilespmem:s16], [sflag:$0x2], $0x4000, s6, s12, $0x38;
	[tilespmem:$0x10000] =	vst v63  }
.LBB1_8:
0x71: {  	_ =	sfence.sel $0x180000  }
0x72: {  	s2 =	simm.s32 $0x1;
	[bflag:$0x0] =	sbarrier.arrive $0xFFFF  }
0x73: {  	s31 =	simm.s32 $0x2;
	[sflag:s2] =	ssyncpa.u1 $0x1  }
0x74: {  	[sflag:s31] =	ssyncpa.u1 $0x1  }
0x75: {  	p0 =	sne.s32 s1, $0x0;
	_ =	strace $0x90000047  }
0x76: {  	s0 =	sadd.s32 @!p0 $0x100000, s0;
	[bflag:$0x2] =	sbarrier.arrive $0xFFFF  }
0x77: {  	[sflag:s0] =	ssyncadd.tile.s32 @!p0 $0x1;
	_ =	shalt  }
.Lfunc_end1:
_tile_overlayer_lowered:
.L_overlay_start_2:
0x78: {  	(tag) =	ssettag $0x2  }
0x79: {  	s0 =	rddreg [dreg:$0x0];
	s2 =	stileid.u32  }
0x7a: {  	s1 =	rddreg [dreg:$0x1];
	p0 =	sne.s32 s2, $0x0  }
0x7b: {  	s3 =	rddreg [dreg:$0x2];
	[bflag:$0x3] =	sbarrier.arrive $0xFFFF;
	s2 =	simm.s32 @!p0 $0x1C01  }
0x7c: {  	[timem:s3], [sflag:s2] =	dma.local @!p0 [hbm:s0], s1  }
0x7d: {  	s0 =	simm.s32 @!p0 $0x1  }
0x7e: {  	_ =	swait.ge @!p0 [sflag:s0], s1  }
0x7f: {  	s1 =	ssub.s32 @!p0 $0x0, s1;
	[sflag:s0] =	ssyncset.done @!p0 $0x0  }
0x80: {  	[sflag:s0] =	ssyncadd.s32 @!p0 s1  }
0x81: {  	[bflag:$0x3] =	sbarrier.arrive $0xFFFF  }
0x82: {  	_ =	shalt  }

</sc_bundles>
